<compile_context>
chip_gen: v7x
topology: tpu7x:2x2x1
jax: 0.10.2.dev20260603
libtpu: 0.0.44.dev20260713+nightly
codegen_flags: <defaults>
</compile_context>

<pallas_src>
import functools

import jax
import jax.numpy as jnp
from jax import lax
from jax.experimental import pallas as pl
from jax.experimental.pallas import tpu as pltpu
from jax.experimental.pallas import tpu_sc as plsc

_N_E = 8192
_E_DIM = 32
_BETA = 0.25
_TOK_BLK = 256
_N_TOK = 8192

_SC_INFO = plsc.get_sparse_core_info()
_NW = _SC_INFO.num_cores * _SC_INFO.num_subcores
_B_PER_W = _N_TOK // _NW


_GATHER_D = 128


def _sc_gather(table, idx):
    mesh = plsc.VectorSubcoreMesh(core_axis_name="c", subcore_axis_name="s")

    @functools.partial(
        pl.kernel, mesh=mesh,
        out_type=jax.ShapeDtypeStruct((_N_TOK, _GATHER_D), jnp.float32),
        scratch_types=[
            pltpu.VMEM((_B_PER_W,), jnp.int32),
            pltpu.VMEM((_B_PER_W, _GATHER_D), jnp.float32),
            pltpu.SemaphoreType.DMA,
        ],
    )
    def k(table_hbm, idx_hbm, out_hbm, idx_v, rows_v, sem):
        wid = lax.axis_index("s") * _SC_INFO.num_cores + lax.axis_index("c")
        base = wid * _B_PER_W
        pltpu.sync_copy(idx_hbm.at[pl.ds(base, _B_PER_W)], idx_v)
        pltpu.async_copy(table_hbm.at[idx_v], rows_v, sem).wait()
        pltpu.sync_copy(rows_v, out_hbm.at[pl.ds(base, _B_PER_W)])

    return k(table, idx)


def _vq_tail_body(mask_ref, z_ref, mtok_ref, zq_ref, idx_ref,
                  zqst_ref, loss_ref, ppl_ref, counts_ref, num_ref):
    i = pl.program_id(0)
    nsteps = pl.num_programs(0)

    z = z_ref[...]
    mv = mtok_ref[...]
    zq = zq_ref[...]
    idx = idx_ref[...]

    iota = lax.broadcasted_iota(jnp.int32, (_TOK_BLK, _N_E), 1)
    onehot = (iota == idx).astype(jnp.float32)

    zqst_ref[...] = z + (zq - z)

    diff = zq - z
    part = jnp.sum(diff * diff * mv).reshape(1, 1)

    @pl.when(i == 0)
    def _init():
        counts_ref[...] = jnp.zeros_like(counts_ref)
        num_ref[...] = jnp.zeros_like(num_ref)

    ones_row = jnp.ones((1, _TOK_BLK), jnp.float32)
    counts_ref[...] += lax.dot_general(ones_row, onehot, (((1,), (0,)), ((), ())),
                                       preferred_element_type=jnp.float32)
    num_ref[...] += part

    @pl.when(i == nsteps - 1)
    def _fini():
        msum = jnp.sum(mask_ref[...])
        denom = msum * (_N_TOK // 8) * _E_DIM
        loss_ref[...] = (1.0 + _BETA) * num_ref[...] / denom
        e_mean = counts_ref[...] / _N_TOK
        ent = jnp.sum(e_mean * jnp.log(e_mean + 1e-10)).reshape(1, 1)
        ppl_ref[...] = jnp.exp(-ent)


def kernel(z, mask, embedding_weight):
    z_p = jnp.transpose(z, (0, 2, 1))
    z_flat = z_p.reshape(_N_TOK, _E_DIM)
    mask_e = jnp.broadcast_to(mask[:, None, None], z_p.shape)
    mask_flat = mask_e.reshape(_N_TOK, _E_DIM)

    d = (jnp.sum(z_flat ** 2 * mask_flat, axis=1, keepdims=True)
         + jnp.sum(embedding_weight ** 2, axis=1)
         - 2.0 * jnp.matmul(z_flat * mask_flat, embedding_weight.T))
    mi = jnp.argmin(d, axis=1)
    enc = jnp.zeros((_N_TOK, _N_E), jnp.float32).at[
        jnp.arange(_N_TOK), mi].set(1.0)

    table = jnp.pad(embedding_weight, ((0, 0), (0, _GATHER_D - _E_DIM)))
    zq_flat = _sc_gather(table, mi)[:, :_E_DIM]

    mask2d = mask[None, :]
    mask_tok = mask_flat[:, :1]
    mi2d = mi[:, None]

    nblk = _N_TOK // _TOK_BLK
    out_shape = (
        jax.ShapeDtypeStruct((_N_TOK, _E_DIM), jnp.float32),
        jax.ShapeDtypeStruct((1, 1), jnp.float32),
        jax.ShapeDtypeStruct((1, 1), jnp.float32),
        jax.ShapeDtypeStruct((1, _N_E), jnp.float32),
        jax.ShapeDtypeStruct((1, 1), jnp.float32),
    )
    grid_spec = pl.GridSpec(
        grid=(nblk,),
        in_specs=[
            pl.BlockSpec((1, 8), lambda i: (0, 0)),
            pl.BlockSpec((_TOK_BLK, _E_DIM), lambda i: (i, 0)),
            pl.BlockSpec((_TOK_BLK, 1), lambda i: (i, 0)),
            pl.BlockSpec((_TOK_BLK, _E_DIM), lambda i: (i, 0)),
            pl.BlockSpec((_TOK_BLK, 1), lambda i: (i, 0)),
        ],
        out_specs=[
            pl.BlockSpec((_TOK_BLK, _E_DIM), lambda i: (i, 0)),
            pl.BlockSpec((1, 1), lambda i: (0, 0)),
            pl.BlockSpec((1, 1), lambda i: (0, 0)),
            pl.BlockSpec((1, _N_E), lambda i: (0, 0)),
            pl.BlockSpec((1, 1), lambda i: (0, 0)),
        ],
    )
    zqst, loss, ppl, _counts, _num = pl.pallas_call(
        _vq_tail_body,
        grid_spec=grid_spec,
        out_shape=out_shape,
    )(mask2d, z_flat, mask_tok, zq_flat, mi2d)

    z_q_out = jnp.transpose(zqst.reshape(z_p.shape), (0, 2, 1))
    return (loss[0, 0], z_q_out, ppl[0, 0], enc, mi2d)

# --- scband reference (transcript-rebuilt; emitter-appended) ---
"""Pipeline reference for scband-vector-quantizer-70136815944226 (READ-ONLY COPY).

The authoritative reference and input builder live on the scoring server;
editing this copy changes nothing except your own understanding.
"""

import jax, jax.numpy as jnp
import numpy as np

N_E = 8192
E_DIM = 32
BETA = 0.25


def setup_inputs(seed: int = 0):
    key = jax.random.key(seed)
    k1, k2 = jax.random.split(key)
    z = jax.random.normal(k1, (8, 32, 1024), dtype=jnp.float32)
    mask = jnp.ones((8,), dtype=jnp.float32)
    embedding_weight = jax.random.uniform(k2, (N_E, E_DIM), minval=-1.0 / N_E, maxval=1.0 / N_E, dtype=jnp.float32)
    return {"z": z, "mask": mask, "embedding_weight": embedding_weight}


def masked_mse_loss(pred, target, mask):
    return ((pred - target) ** 2 * mask).sum() / mask.sum()


def reference(z, mask, embedding_weight):
    # z: (B, C, L) -> (B, L, C)
    z_p = jnp.transpose(z, (0, 2, 1))
    # mask (B,) expanded to z shape (per-sample mask broadcast over tokens/channels)
    mask_e = jnp.broadcast_to(mask[:, None, None], z_p.shape)
    z_flat = z_p.reshape(-1, E_DIM)
    mask_flat = mask_e.reshape(-1, E_DIM)
    # squared L2 distances to every codebook entry (masked)
    d = (jnp.sum(z_flat ** 2 * mask_flat, axis=1, keepdims=True)
         + jnp.sum(embedding_weight ** 2, axis=1)
         - 2.0 * jnp.matmul(z_flat * mask_flat, embedding_weight.T))
    min_encoding_indices = jnp.argmin(d, axis=1)
    n_tok = min_encoding_indices.shape[0]
    # one-hot encodings via scatter-overwrite (matches torch scatter_)
    min_encodings = jnp.zeros((n_tok, N_E), dtype=jnp.float32).at[jnp.arange(n_tok), min_encoding_indices].set(1.0)
    z_q = jnp.matmul(min_encodings, embedding_weight).reshape(z_p.shape)
    embedding_loss = masked_mse_loss(jax.lax.stop_gradient(z_q), z_p, mask_e)
    commitment_loss = masked_mse_loss(z_q, jax.lax.stop_gradient(z_p), mask_e)
    loss = embedding_loss + BETA * commitment_loss
    # straight-through estimator
    z_q_st = z_p + jax.lax.stop_gradient(z_q - z_p)
    e_mean = jnp.mean(min_encodings, axis=0)
    perplexity = jnp.exp(-jnp.sum(e_mean * jnp.log(e_mean + 1e-10)))
    z_q_out = jnp.transpose(z_q_st, (0, 2, 1))
    return (loss, z_q_out, perplexity, min_encodings, min_encoding_indices[:, None])

if __name__ == "__main__":
    import jax
    _d = setup_inputs()
    print(jax.jit(kernel)(*tuple(_d.values())))

</pallas_src>

<mosaic_0001>
#map = affine_map<(d0, d1) -> (0, 0)>
#map1 = affine_map<(d0, d1) -> (0)>
module attributes {stable_mosaic.version = 14 : i64} {
  func.func @k(%arg0: i32, %arg1: i32, %arg2: memref<8192x128xf32, #tpu.memory_space<hbm>>, %arg3: memref<8192xi32, #tpu.memory_space<hbm>>, %arg4: memref<8192x128xf32, #tpu.memory_space<hbm>>, %arg5: memref<256xi32, #tpu.memory_space<vmem>>, %arg6: memref<256x128xf32, #tpu.memory_space<vmem>>, %arg7: memref<!tpu.dma_semaphore, #tpu.memory_space<semaphore_mem>>) attributes {dimension_semantics = [#tpu.dimension_semantics<core_parallel>, #tpu.dimension_semantics<subcore_parallel>], iteration_bounds = array<i64: 2, 16>, scalar_prefetch = 0 : i64, scratch_operands = 3 : i64, tpu.core_type = #tpu.core_type<sc_vector_subcore>, window_params = [{transform_indices = #map}, {transform_indices = #map1}, {transform_indices = #map}]} {
    %mul3A = arith.constant 2 : i32
    %mul3A_0 = arith.muli %arg1, %mul3A : i32
    %add3A = arith.addi %mul3A_0, %arg0 : i32
    %mul3A_1 = arith.constant 256 : i32
    %mul3A_2 = arith.muli %add3A, %mul3A_1 : i32
    "tpu.region"() ({
      %run_scoped3A = tpu.sem_alloc : memref<!tpu.dma_semaphore, #tpu.memory_space<semaphore_mem>>
      %dma_start3A_7 = tpu.memref_slice %arg3[%mul3A_2] : memref<8192xi32, #tpu.memory_space<hbm>> -> memref<256xi32, #tpu.memory_space<hbm>>
      %dma_start3A_8 = tpu.memref_slice %arg3[%mul3A_2] : memref<8192xi32, #tpu.memory_space<hbm>> -> memref<256xi32, #tpu.memory_space<hbm>>
      tpu.enqueue_dma source(%dma_start3A_8 : memref<256xi32, #tpu.memory_space<hbm>>) target(%arg5 : memref<256xi32, #tpu.memory_space<vmem>>) target_semaphore(%run_scoped3A : memref<!tpu.dma_semaphore, #tpu.memory_space<semaphore_mem>>)
      %dma_wait3A_9 = tpu.memref_slice %arg3[%mul3A_2] : memref<8192xi32, #tpu.memory_space<hbm>> -> memref<256xi32, #tpu.memory_space<hbm>>
      %dma_wait3A_10 = tpu.memref_slice %arg3[%mul3A_2] : memref<8192xi32, #tpu.memory_space<hbm>> -> memref<256xi32, #tpu.memory_space<hbm>>
      tpu.wait_dma2 semaphore(%run_scoped3A : memref<!tpu.dma_semaphore, #tpu.memory_space<semaphore_mem>>) src(%dma_wait3A_10 : memref<256xi32, #tpu.memory_space<hbm>>) dst(%arg5 : memref<256xi32, #tpu.memory_space<vmem>>)
      tpu.yield
    }) : () -> ()
    %dma_start3A = arith.constant 0 : i32
    %dma_start3A_3 = arith.constant 0 : i32
    %dma_start3A_4 = tpu.memref_slice %arg2[%dma_start3A, %dma_start3A_3] : memref<8192x128xf32, #tpu.memory_space<hbm>> -> memref<8192x128xf32, #tpu.memory_space<hbm>>
    tpu.enqueue_indirect_dma source(%dma_start3A_4 : memref<8192x128xf32, #tpu.memory_space<hbm>>) target(%arg6 : memref<256x128xf32, #tpu.memory_space<vmem>>) offsets(%arg5 : memref<256xi32, #tpu.memory_space<vmem>>) semaphore(%arg7 : memref<!tpu.dma_semaphore, #tpu.memory_space<semaphore_mem>>)
    %dma_wait3A = arith.constant 0 : i32
    %dma_wait3A_5 = arith.constant 0 : i32
    %dma_wait3A_6 = tpu.memref_slice %arg2[%dma_wait3A, %dma_wait3A_5] : memref<8192x128xf32, #tpu.memory_space<hbm>> -> memref<8192x128xf32, #tpu.memory_space<hbm>>
    tpu.wait_indirect_dma semaphore(%arg7 : memref<!tpu.dma_semaphore, #tpu.memory_space<semaphore_mem>>) src(%dma_wait3A_6 : memref<8192x128xf32, #tpu.memory_space<hbm>>) dst(%arg6 : memref<256x128xf32, #tpu.memory_space<vmem>>)
    "tpu.region"() ({
      %run_scoped3A = tpu.sem_alloc : memref<!tpu.dma_semaphore, #tpu.memory_space<semaphore_mem>>
      %dma_start3A_7 = arith.constant 0 : i32
      %dma_start3A_8 = tpu.memref_slice %arg4[%mul3A_2, %dma_start3A_7] : memref<8192x128xf32, #tpu.memory_space<hbm>> -> memref<256x128xf32, #tpu.memory_space<hbm>>
      %dma_start3A_9 = arith.constant 0 : i32
      %dma_start3A_10 = tpu.memref_slice %arg4[%mul3A_2, %dma_start3A_9] : memref<8192x128xf32, #tpu.memory_space<hbm>> -> memref<256x128xf32, #tpu.memory_space<hbm>>
      tpu.enqueue_dma source(%arg6 : memref<256x128xf32, #tpu.memory_space<vmem>>) target(%dma_start3A_10 : memref<256x128xf32, #tpu.memory_space<hbm>>) target_semaphore(%run_scoped3A : memref<!tpu.dma_semaphore, #tpu.memory_space<semaphore_mem>>)
      %dma_wait3A_11 = arith.constant 0 : i32
      %dma_wait3A_12 = tpu.memref_slice %arg4[%mul3A_2, %dma_wait3A_11] : memref<8192x128xf32, #tpu.memory_space<hbm>> -> memref<256x128xf32, #tpu.memory_space<hbm>>
      %dma_wait3A_13 = arith.constant 0 : i32
      %dma_wait3A_14 = tpu.memref_slice %arg4[%mul3A_2, %dma_wait3A_13] : memref<8192x128xf32, #tpu.memory_space<hbm>> -> memref<256x128xf32, #tpu.memory_space<hbm>>
      tpu.wait_dma2 semaphore(%run_scoped3A : memref<!tpu.dma_semaphore, #tpu.memory_space<semaphore_mem>>) src(%arg6 : memref<256x128xf32, #tpu.memory_space<vmem>>) dst(%dma_wait3A_14 : memref<256x128xf32, #tpu.memory_space<hbm>>)
      tpu.yield
    }) : () -> ()
    return
  }
}

module attributes {stable_mosaic.version = 14 : i64} {
  func.func @_vq_tail_body(%arg0: i32, %arg1: memref<1x8xf32, #tpu.memory_space<vmem>>, %arg2: memref<256x32xf32, #tpu.memory_space<vmem>>, %arg3: memref<256x1xf32, #tpu.memory_space<vmem>>, %arg4: memref<256x32xf32, #tpu.memory_space<vmem>>, %arg5: memref<256x1xi32, #tpu.memory_space<vmem>>, %arg6: memref<256x32xf32, #tpu.memory_space<vmem>>, %arg7: memref<1x1xf32, #tpu.memory_space<vmem>>, %arg8: memref<1x1xf32, #tpu.memory_space<vmem>>, %arg9: memref<1x8192xf32, #tpu.memory_space<vmem>>, %arg10: memref<1x1xf32, #tpu.memory_space<vmem>>) attributes {dimension_semantics = [#tpu.dimension_semantics<arbitrary>], iteration_bounds = array<i64: 32>, scalar_prefetch = 0 : i64, scratch_operands = 0 : i64, tpu.core_type = #tpu.core_type<tc>, window_params = [{pipeline_mode = #tpu.pipeline_mode<synchronous>, transform_indices = @transform_0, window_bounds = array<i64: 1, 8>}, {transform_indices = @transform_1, window_bounds = array<i64: 256, 32>}, {transform_indices = @transform_2, window_bounds = array<i64: 256, 1>}, {transform_indices = @transform_3, window_bounds = array<i64: 256, 32>}, {transform_indices = @transform_4, window_bounds = array<i64: 256, 1>}, {transform_indices = @transform_5, window_bounds = array<i64: 256, 32>}, {pipeline_mode = #tpu.pipeline_mode<synchronous>, transform_indices = @transform_6, window_bounds = array<i64: 1, 1>}, {pipeline_mode = #tpu.pipeline_mode<synchronous>, transform_indices = @transform_7, window_bounds = array<i64: 1, 1>}, {pipeline_mode = #tpu.pipeline_mode<synchronous>, transform_indices = @transform_8, window_bounds = array<i64: 1, 8192>}, {pipeline_mode = #tpu.pipeline_mode<synchronous>, transform_indices = @transform_9, window_bounds = array<i64: 1, 1>}]} {
    %get3A = arith.constant 0 : index
    %get3A_0 = arith.constant 0 : index
    %get3A_1 = vector.load %arg2[%get3A, %get3A_0] : memref<256x32xf32, #tpu.memory_space<vmem>>, vector<256x32xf32>
    %get3A_2 = arith.constant 0 : index
    %get3A_3 = arith.constant 0 : index
    %get3A_4 = vector.load %arg3[%get3A_2, %get3A_3] : memref<256x1xf32, #tpu.memory_space<vmem>>, vector<256x1xf32>
    %get3A_5 = arith.constant 0 : index
    %get3A_6 = arith.constant 0 : index
    %get3A_7 = vector.load %arg4[%get3A_5, %get3A_6] : memref<256x32xf32, #tpu.memory_space<vmem>>, vector<256x32xf32>
    %get3A_8 = arith.constant 0 : index
    %get3A_9 = arith.constant 0 : index
    %get3A_10 = vector.load %arg5[%get3A_8, %get3A_9] : memref<256x1xi32, #tpu.memory_space<vmem>>, vector<256x1xi32>
    %iota3A = tpu.iota {dimensions = array<i32: 1>} : vector<256x8192xi32>
    %eq3A = vector.broadcast %get3A_10 : vector<256x1xi32> to vector<256x8192xi32>
    %eq3A_11 = arith.cmpi eq, %iota3A, %eq3A : vector<256x8192xi32>
    %convert_element_type3A = arith.extui %eq3A_11 : vector<256x8192xi1> to vector<256x8192xi32>
    %convert_element_type3A_12 = arith.sitofp %convert_element_type3A : vector<256x8192xi32> to vector<256x8192xf32>
    %sub3A = arith.subf %get3A_7, %get3A_1 : vector<256x32xf32>
    %add3A = arith.addf %get3A_1, %sub3A : vector<256x32xf32>
    %swap3A = arith.constant 0 : index
    %swap3A_13 = arith.constant 0 : index
    %swap3A_14 = vector.load %arg6[%swap3A, %swap3A_13] : memref<256x32xf32, #tpu.memory_space<vmem>>, vector<256x32xf32>
    tpu.vector_store %arg6[%swap3A, %swap3A_13], %add3A {strides = array<i32>} : memref<256x32xf32, #tpu.memory_space<vmem>>, vector<256x32xf32>,
    %sub3A_15 = arith.subf %get3A_7, %get3A_1 : vector<256x32xf32>
    %mul3A = arith.mulf %sub3A_15, %sub3A_15 : vector<256x32xf32>
    %mul3A_16 = vector.broadcast %get3A_4 : vector<256x1xf32> to vector<256x32xf32>
    %mul3A_17 = arith.mulf %mul3A, %mul3A_16 : vector<256x32xf32>
    %reduce_sum3A = vector.shape_cast %mul3A_17 : vector<256x32xf32> to vector<1x256x32xf32>
    %reduce_sum3A_18 = arith.constant dense<0.000000e+00> : vector<1xf32>
    %reduce_sum3A_19 = vector.multi_reduction <add>, %reduce_sum3A, %reduce_sum3A_18 [1, 2] : vector<1x256x32xf32> to vector<1xf32>
    %reduce_sum3A_20 = vector.shape_cast %reduce_sum3A_19 : vector<1xf32> to vector<1x1x1xf32>
    %reduce_sum3A_21 = vector.extract %reduce_sum3A_20[0, 0, 0] : f32 from vector<1x1x1xf32>
    %reshape3A = vector.broadcast %reduce_sum3A_21 : f32 to vector<1x1xf32>
    %eq3A_22 = arith.constant 0 : i32
    %eq3A_23 = arith.cmpi eq, %arg0, %eq3A_22 : i32
    %convert_element_type3A_24 = arith.extui %eq3A_23 : i1 to i32
    %cond3A = arith.constant 0 : i32
    %cond3A_25 = arith.cmpi ne, %convert_element_type3A_24, %cond3A : i32
    scf.if %cond3A_25 {
      %broadcast_in_dim3A_47 = arith.constant 0.000000e+00 : f32
      %broadcast_in_dim3A_48 = vector.broadcast %broadcast_in_dim3A_47 : f32 to vector<1x8192xf32>
      %swap3A_49 = arith.constant 0 : index
      %swap3A_50 = arith.constant 0 : index
      %swap3A_51 = vector.load %arg9[%swap3A_49, %swap3A_50] : memref<1x8192xf32, #tpu.memory_space<vmem>>, vector<1x8192xf32>
      tpu.vector_store %arg9[%swap3A_49, %swap3A_50], %broadcast_in_dim3A_48 {strides = array<i32>} : memref<1x8192xf32, #tpu.memory_space<vmem>>, vector<1x8192xf32>,
      %broadcast_in_dim3A_52 = arith.constant 0.000000e+00 : f32
      %broadcast_in_dim3A_53 = vector.broadcast %broadcast_in_dim3A_52 : f32 to vector<1x1xf32>
      %swap3A_54 = arith.constant 0 : index
      %swap3A_55 = arith.constant 0 : index
      %swap3A_56 = vector.load %arg10[%swap3A_54, %swap3A_55] : memref<1x1xf32, #tpu.memory_space<vmem>>, vector<1x1xf32>
      tpu.vector_store %arg10[%swap3A_54, %swap3A_55], %broadcast_in_dim3A_53 {strides = array<i32>} : memref<1x1xf32, #tpu.memory_space<vmem>>, vector<1x1xf32>,
    } else {
    }
    %broadcast_in_dim3A = arith.constant 1.000000e+00 : f32
    %broadcast_in_dim3A_26 = vector.broadcast %broadcast_in_dim3A : f32 to vector<1x256xf32>
    %get3A_27 = arith.constant 0 : index
    %get3A_28 = arith.constant 0 : index
    %get3A_29 = vector.load %arg9[%get3A_27, %get3A_28] : memref<1x8192xf32, #tpu.memory_space<vmem>>, vector<1x8192xf32>
    %dot_general3A = arith.constant dense<0.000000e+00> : vector<1x8192xf32>
    %dot_general3A_30 = tpu.matmul %broadcast_in_dim3A_26, %convert_element_type3A_12, %dot_general3A {dimension_numbers = #tpu.dot_dimension_numbers<[1], [0], [0], [1], [0, 0, 1, 1], [], []>, transpose_lhs_hint = false} : vector<1x256xf32>, vector<256x8192xf32>, vector<1x8192xf32> -> vector<1x8192xf32>
    %add3A_31 = arith.addf %get3A_29, %dot_general3A_30 : vector<1x8192xf32>
    %swap3A_32 = arith.constant 0 : index
    %swap3A_33 = arith.constant 0 : index
    %swap3A_34 = vector.load %arg9[%swap3A_32, %swap3A_33] : memref<1x8192xf32, #tpu.memory_space<vmem>>, vector<1x8192xf32>
    tpu.vector_store %arg9[%swap3A_32, %swap3A_33], %add3A_31 {strides = array<i32>} : memref<1x8192xf32, #tpu.memory_space<vmem>>, vector<1x8192xf32>,
    %get3A_35 = arith.constant 0 : index
    %get3A_36 = arith.constant 0 : index
    %get3A_37 = vector.load %arg10[%get3A_35, %get3A_36] : memref<1x1xf32, #tpu.memory_space<vmem>>, vector<1x1xf32>
    %add3A_38 = arith.addf %get3A_37, %reshape3A : vector<1x1xf32>
    %swap3A_39 = arith.constant 0 : index
    %swap3A_40 = arith.constant 0 : index
    %swap3A_41 = vector.load %arg10[%swap3A_39, %swap3A_40] : memref<1x1xf32, #tpu.memory_space<vmem>>, vector<1x1xf32>
    tpu.vector_store %arg10[%swap3A_39, %swap3A_40], %add3A_38 {strides = array<i32>} : memref<1x1xf32, #tpu.memory_space<vmem>>, vector<1x1xf32>,
    %eq3A_42 = arith.constant 31 : i32
    %eq3A_43 = arith.cmpi eq, %arg0, %eq3A_42 : i32
    %convert_element_type3A_44 = arith.extui %eq3A_43 : i1 to i32
    %cond3A_45 = arith.constant 0 : i32
    %cond3A_46 = arith.cmpi ne, %convert_element_type3A_44, %cond3A_45 : i32
    scf.if %cond3A_46 {
      %get3A_47 = arith.constant 0 : index
      %get3A_48 = arith.constant 0 : index
      %get3A_49 = vector.load %arg1[%get3A_47, %get3A_48] : memref<1x8xf32, #tpu.memory_space<vmem>>, vector<1x8xf32>
      %reduce_sum3A_50 = vector.shape_cast %get3A_49 : vector<1x8xf32> to vector<1x1x8xf32>
      %reduce_sum3A_51 = arith.constant dense<0.000000e+00> : vector<1xf32>
      %reduce_sum3A_52 = vector.multi_reduction <add>, %reduce_sum3A_50, %reduce_sum3A_51 [1, 2] : vector<1x1x8xf32> to vector<1xf32>
      %reduce_sum3A_53 = vector.shape_cast %reduce_sum3A_52 : vector<1xf32> to vector<1x1x1xf32>
      %reduce_sum3A_54 = vector.extract %reduce_sum3A_53[0, 0, 0] : f32 from vector<1x1x1xf32>
      %mul3A_55 = arith.constant 1.024000e+03 : f32
      %mul3A_56 = arith.mulf %reduce_sum3A_54, %mul3A_55 : f32
      %mul3A_57 = arith.constant 3.200000e+01 : f32
      %mul3A_58 = arith.mulf %mul3A_56, %mul3A_57 : f32
      %get3A_59 = arith.constant 0 : index
      %get3A_60 = arith.constant 0 : index
      %get3A_61 = vector.load %arg10[%get3A_59, %get3A_60] : memref<1x1xf32, #tpu.memory_space<vmem>>, vector<1x1xf32>
      %mul3A_62 = arith.constant 1.250000e+00 : f32
      %mul3A_63 = vector.broadcast %mul3A_62 : f32 to vector<1x1xf32>
      %mul3A_64 = arith.mulf %mul3A_63, %get3A_61 : vector<1x1xf32>
      %div3A = vector.broadcast %mul3A_58 : f32 to vector<1x1xf32>
      %div3A_65 = arith.divf %mul3A_64, %div3A : vector<1x1xf32>
      %swap3A_66 = arith.constant 0 : index
      %swap3A_67 = arith.constant 0 : index
      %swap3A_68 = vector.load %arg7[%swap3A_66, %swap3A_67] : memref<1x1xf32, #tpu.memory_space<vmem>>, vector<1x1xf32>
      tpu.vector_store %arg7[%swap3A_66, %swap3A_67], %div3A_65 {strides = array<i32>} : memref<1x1xf32, #tpu.memory_space<vmem>>, vector<1x1xf32>,
      %get3A_69 = arith.constant 0 : index
      %get3A_70 = arith.constant 0 : index
      %get3A_71 = vector.load %arg9[%get3A_69, %get3A_70] : memref<1x8192xf32, #tpu.memory_space<vmem>>, vector<1x8192xf32>
      %div3A_72 = arith.constant 8.192000e+03 : f32
      %div3A_73 = vector.broadcast %div3A_72 : f32 to vector<1x8192xf32>
      %div3A_74 = arith.divf %get3A_71, %div3A_73 : vector<1x8192xf32>
      %add3A_75 = arith.constant 1.000000e-10 : f32
      %add3A_76 = vector.broadcast %add3A_75 : f32 to vector<1x8192xf32>
      %add3A_77 = arith.addf %div3A_74, %add3A_76 : vector<1x8192xf32>
      %log3A = math.log %add3A_77 : vector<1x8192xf32>
      %mul3A_78 = arith.mulf %div3A_74, %log3A : vector<1x8192xf32>
      %reduce_sum3A_79 = vector.shape_cast %mul3A_78 : vector<1x8192xf32> to vector<1x1x8192xf32>
      %reduce_sum3A_80 = arith.constant dense<0.000000e+00> : vector<1xf32>
      %reduce_sum3A_81 = vector.multi_reduction <add>, %reduce_sum3A_79, %reduce_sum3A_80 [1, 2] : vector<1x1x8192xf32> to vector<1xf32>
      %reduce_sum3A_82 = vector.shape_cast %reduce_sum3A_81 : vector<1xf32> to vector<1x1x1xf32>
      %reduce_sum3A_83 = vector.extract %reduce_sum3A_82[0, 0, 0] : f32 from vector<1x1x1xf32>
      %reshape3A_84 = vector.broadcast %reduce_sum3A_83 : f32 to vector<1x1xf32>
      %neg3A = arith.constant 0.000000e+00 : f32
      %neg3A_85 = vector.broadcast %neg3A : f32 to vector<1x1xf32>
      %neg3A_86 = arith.subf %neg3A_85, %reshape3A_84 : vector<1x1xf32>
      %exp3A = math.exp %neg3A_86 : vector<1x1xf32>
      %swap3A_87 = arith.constant 0 : index
      %swap3A_88 = arith.constant 0 : index
      %swap3A_89 = vector.load %arg8[%swap3A_87, %swap3A_88] : memref<1x1xf32, #tpu.memory_space<vmem>>, vector<1x1xf32>
      tpu.vector_store %arg8[%swap3A_87, %swap3A_88], %exp3A {strides = array<i32>} : memref<1x1xf32, #tpu.memory_space<vmem>>, vector<1x1xf32>,
    } else {
    }
    return
  }
  func.func @transform_0(%arg0: i32) -> (i32, i32) {
    %c0_i32 = arith.constant 0 : i32
    %c0_i32_0 = arith.constant 0 : i32
    %c0_i32_1 = arith.constant 0 : i32
    return %c0_i32, %c0_i32_0 : i32, i32
  }
  func.func @transform_1(%arg0: i32) -> (i32, i32) {
    %c0_i32 = arith.constant 0 : i32
    %c0_i32_0 = arith.constant 0 : i32
    return %arg0, %c0_i32 : i32, i32
  }
  func.func @transform_2(%arg0: i32) -> (i32, i32) {
    %c0_i32 = arith.constant 0 : i32
    %c0_i32_0 = arith.constant 0 : i32
    return %arg0, %c0_i32 : i32, i32
  }
  func.func @transform_3(%arg0: i32) -> (i32, i32) {
    %c0_i32 = arith.constant 0 : i32
    %c0_i32_0 = arith.constant 0 : i32
    return %arg0, %c0_i32 : i32, i32
  }
  func.func @transform_4(%arg0: i32) -> (i32, i32) {
    %c0_i32 = arith.constant 0 : i32
    %c0_i32_0 = arith.constant 0 : i32
    return %arg0, %c0_i32 : i32, i32
  }
  func.func @transform_5(%arg0: i32) -> (i32, i32) {
    %c0_i32 = arith.constant 0 : i32
    %c0_i32_0 = arith.constant 0 : i32
    return %arg0, %c0_i32 : i32, i32
  }
  func.func @transform_6(%arg0: i32) -> (i32, i32) {
    %c0_i32 = arith.constant 0 : i32
    %c0_i32_0 = arith.constant 0 : i32
    %c0_i32_1 = arith.constant 0 : i32
    return %c0_i32, %c0_i32_0 : i32, i32
  }
  func.func @transform_7(%arg0: i32) -> (i32, i32) {
    %c0_i32 = arith.constant 0 : i32
    %c0_i32_0 = arith.constant 0 : i32
    %c0_i32_1 = arith.constant 0 : i32
    return %c0_i32, %c0_i32_0 : i32, i32
  }
  func.func @transform_8(%arg0: i32) -> (i32, i32) {
    %c0_i32 = arith.constant 0 : i32
    %c0_i32_0 = arith.constant 0 : i32
    %c0_i32_1 = arith.constant 0 : i32
    return %c0_i32, %c0_i32_0 : i32, i32
  }
  func.func @transform_9(%arg0: i32) -> (i32, i32) {
    %c0_i32 = arith.constant 0 : i32
    %c0_i32_0 = arith.constant 0 : i32
    %c0_i32_1 = arith.constant 0 : i32
    return %c0_i32, %c0_i32_0 : i32, i32
  }
}

</mosaic_0001>

<sc_bundles>
// kernel: kernel.4.cloned.1.call-start
scs
__scs_entry_jumppad:
0x0: {  	(pc) =	sbr.rel $0x88, $3  }
0x1: {  	(tag) =	ssettag $0x0;
	lr =	simm.s32 $0x1  }
0x2: {  	[smem:$0x3F9E] =	sst lr;
	_ =	strace $0xD0000000  }
0x3: {  	_ = 	snop  }
0x4: {  	_ = 	snop  }
0x5: {  	_ = 	snop  }
0x6: {  	_ = 	snop  }
0x7: {  	_ = 	snop  }
__scs_overlays_trampoline_lowered:
0x8: {  	[smem:$0x3FAD] =	sst s0  }
0x9: {  	[smem:$0x3FAE] =	sst s1  }
0xa: {  	[smem:$0x3FAF] =	sst s2  }
0xb: {  	[smem:$0x3FB0] =	sst s3  }
0xc: {  	[smem:$0x3FB1] =	sst s4  }
0xd: {  	[smem:$0x3FB2] =	sst s5  }
0xe: {  	[smem:$0x3FB3] =	sst s6  }
0xf: {  	[smem:$0x3FB4] =	sst s7  }
0x10: {  	[smem:$0x3FB5] =	sst s8  }
0x11: {  	[smem:$0x3FB6] =	sst s9;
	s0 =	simm.s32 @!p0 $0x0  }
0x12: {  	s1 =	sld [smem:$0x3F9C];
	s0 =	simm.s32 @p0 $0x1  }
0x13: {  	[smem:$0x3FB7] =	sst s0;
	s0 =	simm.s32 @!p1 $0x0  }
0x14: {  	s2 =	sld [smem:$0x3F9B];
	s0 =	simm.s32 @p1 $0x1  }
0x15: {  	[smem:$0x3FB8] =	sst s0;
	s0 =	simm.s32 @!p2 $0x0  }
0x16: {  	s3 =	sld [smem:$0x3FDB];
	s0 =	simm.s32 @p2 $0x1  }
0x17: {  	s4 =	simm.s32 $0x1BF5;
	[smem:$0x3FBA] =	sst s0  }
0x18: {  	s0 =	sld [smem:$0x3F9D];
	_ =	swait.ge [sflag:s4], $0x0  }
0x19: {  	s7 =	sld [smem:$0x3F9E]  }
0x1a: {  	s8 =	sadd.s32 $0xFFFFE003, lr  }
0x1b: {  	s9 =	sadd.s32 $0xFFFFFEF7, lr;
	s5 =	simm.s32 $0xFFFFFFFF;
	p2 =	slt.u32 s8, $0xFFFFF086  }
0x1c: {  	p1 =	slt.u32 s9, $0xF7A;
	s5 =	simm.s32 @!p2 $0x0  }
0x1d: {  	s5 =	simm.s32 @p1 $0x1;
	p0 =	seq.s32 s7, s2  }
0x1e: {  	s7 =	smul.u32 @!p0 $0xF7A, s2;
	p2 =	seq.s32 @!p0 s5, $0x0  }
0x1f: {  	s9 =	smul.u32 $0xF7A, s1;
	s8 =	simm.s32 @!p0 $0x1BF5;
	p2 =	por !p2, p0  }
0x20: {  	[sflag:s8] =	ssyncset.s32 @!p0 $0xFFFFF086;
	s6 =	sadd.s32 @!p0 s3, s7;
	s7 =	simm.s32 @!p0 $0x108  }
0x21: {  	s3 =	sadd.s32 s3, s9;
	s6 =	sadd.s32 @!p0 $0x88, s6;
	s7 =	simm.s32 @p2 $0x1082  }
0x22: {  	[simem:s7], [sflag:s8] =	dma.local @!p0 [hbm:s6], $0xF7A  }
0x23: {  	s9 =	sor.u32 $0xD0000000, s2;
	s6 =	simm.s32 $0x108;
	_ =	swait.ge @!p0 [sflag:s8], $0x0  }
0x24: {  	s3 =	sadd.s32 $0x88, s3;
	s6 =	simm.s32 @!p1 $0x1082;
	[sflag:s4] =	ssyncset.s32 $0xFFFFF086  }
0x25: {  	[simem:s6], [sflag:s4] =	dma.local [hbm:s3], $0xF7A  }
0x26: {  	[smem:$0x3F9E] =	sst s1;
	(tag) =	ssettag s2;
	_ =	strace s9  }
0x27: {  	s1 =	sld [smem:$0x3FAE]  }
0x28: {  	s2 =	sld [smem:$0x3FAF]  }
0x29: {  	s4 =	sld [smem:$0x3FB1]  }
0x2a: {  	p0 =	seq.s32 s5, $0x0;
	s5 =	sld [smem:$0x3FB2]  }
0x2b: {  	s6 =	sld [smem:$0x3FB3]  }
0x2c: {  	s7 =	sld [smem:$0x3FB4]  }
0x2d: {  	s3 =	simm.s32 $0x108;
	s8 =	sld [smem:$0x3FB5]  }
0x2e: {  	s3 =	simm.s32 @!p0 $0x1082;
	s9 =	sld [smem:$0x3FB6]  }
0x2f: {  	lr =	sadd.s32 s0, s3;
	s0 =	sld [smem:$0x3FAD]  }
0x30: {  	s3 =	sld [smem:$0x3FB0]  }
0x31: {  	[smem:$0x3FB9] =	sst s10  }
0x32: {  	s10 =	sld [smem:$0x3FB7];
	_ =	sdelay $0x3  }
0x33: {  	p0 =	seq.s32 s10, $0x1;
	s10 =	sld [smem:$0x3FB9];
	_ =	sdelay $0x3  }
0x34: {  	[smem:$0x3FB9] =	sst s10  }
0x35: {  	s10 =	sld [smem:$0x3FB8];
	_ =	sdelay $0x3  }
0x36: {  	p1 =	seq.s32 s10, $0x1;
	s10 =	sld [smem:$0x3FB9];
	_ =	sdelay $0x3  }
0x37: {  	[smem:$0x3FB9] =	sst s10  }
0x38: {  	s10 =	sld [smem:$0x3FBA]  }
0x39: {  	_ = 	snop;
	(pc) =	sbr.ind lr, $3  }
0x3a: {  	_ = 	snop  }
0x3b: {  	_ = 	snop  }
0x3c: {  	p2 =	seq.s32 s10, $0x1;
	s10 =	sld [smem:$0x3FB9]  }
0x3d: {  	_ =	shalt  }
0x3e: {  	_ =	shalt  }
0x3f: {  	_ =	shalt  }
0x40: {  	_ =	shalt  }
0x41: {  	_ =	shalt  }
0x42: {  	_ =	shalt  }
0x43: {  	_ =	shalt  }
0x44: {  	_ =	shalt  }
0x45: {  	_ =	shalt  }
0x46: {  	_ =	shalt  }
0x47: {  	_ =	shalt  }
0x48: {  	_ =	shalt  }
0x49: {  	_ =	shalt  }
0x4a: {  	_ =	shalt  }
0x4b: {  	_ =	shalt  }
0x4c: {  	_ =	shalt  }
0x4d: {  	_ =	shalt  }
0x4e: {  	_ =	shalt  }
0x4f: {  	_ =	shalt  }
0x50: {  	_ =	shalt  }
0x51: {  	_ =	shalt  }
0x52: {  	_ =	shalt  }
0x53: {  	_ =	shalt  }
0x54: {  	_ =	shalt  }
0x55: {  	_ =	shalt  }
0x56: {  	_ =	shalt  }
0x57: {  	_ =	shalt  }
0x58: {  	_ =	shalt  }
0x59: {  	_ =	shalt  }
0x5a: {  	_ =	shalt  }
0x5b: {  	_ =	shalt  }
0x5c: {  	_ =	shalt  }
0x5d: {  	_ =	shalt  }
0x5e: {  	_ =	shalt  }
0x5f: {  	_ =	shalt  }
0x60: {  	_ =	shalt  }
0x61: {  	_ =	shalt  }
0x62: {  	_ =	shalt  }
0x63: {  	_ =	shalt  }
0x64: {  	_ =	shalt  }
0x65: {  	_ =	shalt  }
0x66: {  	_ =	shalt  }
0x67: {  	_ =	shalt  }
0x68: {  	_ =	shalt  }
0x69: {  	_ =	shalt  }
0x6a: {  	_ =	shalt  }
0x6b: {  	_ =	shalt  }
0x6c: {  	_ =	shalt  }
0x6d: {  	_ =	shalt  }
0x6e: {  	_ =	shalt  }
0x6f: {  	_ =	shalt  }
0x70: {  	_ =	shalt  }
0x71: {  	_ =	shalt  }
0x72: {  	_ =	shalt  }
0x73: {  	_ =	shalt  }
0x74: {  	_ =	shalt  }
0x75: {  	_ =	shalt  }
0x76: {  	_ =	shalt  }
0x77: {  	_ =	shalt  }
0x78: {  	_ =	shalt  }
0x79: {  	_ =	shalt  }
0x7a: {  	_ =	shalt  }
0x7b: {  	_ =	shalt  }
0x7c: {  	_ =	shalt  }
0x7d: {  	_ =	shalt  }
0x7e: {  	_ =	shalt  }
0x7f: {  	_ =	shalt  }
0x80: {  	_ =	shalt  }
0x81: {  	_ =	shalt  }
0x82: {  	_ =	shalt  }
0x83: {  	_ =	shalt  }
0x84: {  	_ =	shalt  }
0x85: {  	_ =	shalt  }
0x86: {  	_ =	shalt  }
0x87: {  	_ =	shalt  }
.Lfunc_end0:
.L_simem_size_0:
called_computation_lowered:
.L_overlay_start_0:
0x88: {  	s2 =	sld [smem:$0x3FD9]  }
0x89: {  	s3 =	sld [smem:$0x3FFE];
	_ =	sdelay $0x1  }
0x8a: {  	s1 =	srdreg.scid  }
0x8b: {  	s0 =	sand.u32 $0x1, s1  }
0x8c: {  	s14 =	sshll.u32 s0, $0xA;
	s2 =	sadd.s32 s3, s2  }
0x8d: {  	s2 =	sadd.s32 s2, s14  }
0x8e: {  	[smem:$0x3FC5] =	sst s2  }
0x8f: {  	_ = 	snop  }
0x90: {  	s2 =	sld [smem:$0x3FD0];
	_ =	sdelay $0x2  }
0x91: {  	s15 =	simm.s32 $0xA;
	s4 =	simm.s32 $0x10  }
0x92: {  	[smem:s4], [sflag:s15] =	dma.local [hbm:s2], $0x1  }
0x93: {  	_ =	swait.eq [sflag:s15], $0x1  }
0x94: {  	[sflag:s15] =	ssyncset.done $0x0  }
0x95: {  	[sflag:s15] =	ssyncadd.s32 $0xFFFFFFFF  }
0x96: {  	s16 =	sld [smem:$0x14];
	(tm) =	ssettm $0x1  }
0x97: {  	s17 =	sld [smem:$0x3FFB];
	_ =	sdelay $0x3  }
0x98: {  	_ =	strace s17  }
0x99: {  	s3 =	sld [smem:$0x3FFC];
	_ =	sdelay $0x3  }
0x9a: {  	_ =	strace s3  }
0x9b: {  	s3 =	sld [smem:$0x3FFD];
	_ =	sdelay $0x3  }
0x9c: {  	_ =	strace s3  }
0x9d: {  	_ =	strace $0x8FFFFFFF  }
0x9e: {  	s18 =	sld [smem:$0x3FDB];
	_ =	sdelay $0x1  }
0x9f: {  	s19 =	simm.s32 $_scs_section_size  }
0xa0: {  	s5 =	simm.s32 $_size__tile_overlayer_lowered;
	s6 =	simm.s32 $_tile_overlayer_lowered  }
0xa1: {  	s22 =	simm.s32 $0x1BFF;
	s21 =	sshll.u32 s6, $0x1;
	s3 =	sadd.s32 s19, s18  }
0xa2: {  	s7 =	simm.s32 $0x0;
	s20 =	sshll.u32 s5, $0x1;
	s5 =	sadd.s32 s21, s3  }
0xa3: {  	[timem:s7], [sflag:s22] =	dma.local [hbm:s5], s20  }
0xa4: {  	_ =	swait.ge [sflag:s22], s20  }
0xa5: {  	s4 =	ssub.s32 $0x0, s20;
	[sflag:s22] =	ssyncset.done $0x0  }
0xa6: {  	[sflag:s22] =	ssyncadd.s32 s4;
	_ =	sdelay $0x1  }
0xa7: {  	s23 =	simm.s32 $0x1B8B  }
0xa8: {  	_ =	swait.ge [sflag:s23], $0x1  }
0xa9: {  	[sflag:s23] =	ssyncset.done $0x0  }
0xaa: {  	s25 =	simm.s32 $0x1B8E;
	s24 =	sld [smem:$0x3FFE];
	[sflag:s23] =	ssyncadd.s32 $0xFFFFFFFF  }
0xab: {  	s26 =	simm.s32 $execute0_lowered;
	[smem:$0x3FD2] =	sst s25  }
0xac: {  	s5 =	sshll.u32 s26, $0x1;
	_ =	strace $0x80000046;
	[dreg:$0x1] =	wrdreg $0xFFFFFFFF  }
0xad: {  	s28 =	simm.s32 $_size_execute0_lowered;
	s3 =	sadd.s32 s3, s5;
	[dreg:$0x0] =	wrdreg $0x0  }
0xae: {  	s5 =	sshll.u32 s28, $0x1;
	[dreg:$0x2] =	wrdreg s3  }
0xaf: {  	[dreg:$0x3] =	wrdreg s5  }
0xb0: {  	[dreg:$0x4] =	wrdreg $0xC0  }
0xb1: {  	_ =	task [dreg:s7], $0x5FFFF  }
0xb2: {  	[dreg:$0x1] =	wrdreg $0xFFFFFFFF  }
0xb3: {  	[dreg:$0x0] =	wrdreg $0x60  }
0xb4: {  	[dreg:$0x2] =	wrdreg s24  }
0xb5: {  	[dreg:$0x3] =	wrdreg s16  }
0xb6: {  	[dreg:$0x4] =	wrdreg $0x9  }
0xb7: {  	_ =	task.clear_ibuf [dreg:s7], $0x5FFFF;
	_ =	strace $0x90000046  }
0xb8: {  	s29 =	simm.s32 $0x9;
	_ =	strace $0x80000048  }
0xb9: {  	_ =	swait.ge [sflag:s29], $0x1  }
0xba: {  	[sflag:s29] =	ssyncadd.s32 $0xFFFFFFFF  }
0xbb: {  	_ =	strace $0x90000048  }
0xbc: {  	_ =	sfence  }
0xbd: {  	s30 =	sld [smem:$0x0];
	_ =	sdelay $0x2  }
0xbe: {  	s31 =	sshll.u32 s1, $0xD;
	s1 =	sshrl.u32 s1, $0x2  }
0xbf: {  	s3 =	sand.u32 $0x4000, s31;
	s1 =	sadd.s32 s1, s30  }
0xc0: {  	s0 =	sor.u32 s3, s0;
	s1 =	sshll.u32 s1, $0x11  }
0xc1: {  	s0 =	sor.u32 s1, s0  }
0xc2: {  	s0 =	sadd.s32 $0x8F2B, s0  }
0xc3: {  	[sflag:s0] =	ssyncadd.remote.s32 $0x1  }
0xc4: {  	_ =	sfence.sel $0xFFFF  }
0xc5: {  	[dreg:$0x0] =	wrdreg $0xFFFFFFFF;
	(pc) =	sbr.abs _section_cstart, $3  }
0xc6: {  	[dreg:$0x1] =	wrdreg $0xFFFFFFFF  }
0xc7: {  	_ =	task.clear_ibuf [dreg:s7], $0x2FFFF;
	_ =	strace $0x9FFFFFFF  }
0xc8: {  	(tm) =	ssettm $0x7FFFFFFF  }
0xc9: {  	_ =	shalt  }
tec
execute0_lowered:
.L_overlay_start_1:
0x0: {  	(tag) =	ssettag $0x1  }
0x1: {  	s1 =	srdreg.scid  }
0x2: {  	s8 =	rddreg [dreg:$0x0];
	s0 =	stileid.u32  }
0x3: {  	s3 =	rddreg [dreg:$0x1];
	s2 =	simm.s32 $0x0;
	s6 =	sand.u32 $0x1, s1  }
0x4: {  	s4 =	sshll.u32 s0, $0x9;
	s1 =	rddreg [dreg:$0x2];
	s5 =	sshll.u32 s6, $0x8  }
0x5: {  	s7 =	simm.s32 $0x1;
	[smem:$0x7FF] =	sst s2;
	s9 =	sor.u32 s5, s4  }
0x6: {  	_ =	strace $0x80000047;
	s10 =	ssub.s32 $0x2, s6;
	s4 =	sshrl.u32 s9, $0x3  }
0x7: {  	s6 =	simm.s32 $0x100;
	s4 =	sadd.s32 s3, s4;
	s3 =	simm.s32 $0x2  }
0x8: {  	[tilespmem:s2], [sflag:$0x2] =	stream.linear.gather [hbm4b:s4+s2], $0x100, $0x38;
	[tilespmem:$0x8100] =	vst v63  }
0x9: {  	s5 =	sadd.s32 $0x20000, s8;
	s11 =	sshrl.u32 s10, $0x1;
	_ =	swait.ge [sflag:s3], $0x100  }
0xa: {  	s9 =	sshll.u32 s9, $0x4;
	s31 =	ssub.s32 s10, s11;
	[sflag:s3] =	ssyncset.done $0x0  }
0xb: {  	s8 =	sadd.s32 s9, s8;
	s9 =	smax.u32 s31, $0x1;
	[sflag:s3] =	ssyncadd.s32 $0xFFFFFF00  }
0xc: {  	[tilespmem:s6], [sflag:$0x1] =	stream.indirect.gather [hbm4b:s5+s6], $0x80, s2, s6, $0xb8;
	[tilespmem:$0x8100] =	vst v63  }
0xd: {  	p0 =	sne.s32 s9, $0x1;
	_ =	swait.ge [sflag:s7], $0x8000  }
.Ltmp0:
0xe: {  	[sflag:s7] =	ssyncset.done $0x0;
	(pc) =	sbr.rel @!p0 .LBB2_2-.Ltmp0, $4  }
0xf: {  	s8 =	sadd.s32 $0x40000, s8;
	[sflag:s7] =	ssyncadd.s32 $0xFFFF8000  }
0x10: {  	[hbm4b:s8+s2] =	stream.linear.scatter [tilespmem:s6], [sflag:$0x2], $0x8000, $0x38;
	[tilespmem:$0x8100] =	vst v63  }
0x11: {  	_ =	swait.ge [sflag:s3], $0x8000  }
0x12: {  	s9 =	sadd.s32 $0xFFFFFFFF, s9;
	[sflag:s3] =	ssyncset.done $0x0  }
.LBB2_1:
0x13: {  	p0 =	sne.s32 s9, $0x1;
	s9 =	sadd.s32 $0xFFFFFFFF, s9;
	[sflag:s3] =	ssyncadd.s32 $0xFFFF8000  }
0x14: {  	[tilespmem:s2], [sflag:$0x2] =	stream.linear.gather [hbm4b:s4+s2], $0x100, $0x38;
	[tilespmem:$0x8100] =	vst v63  }
0x15: {  	_ =	swait.ge [sflag:s3], $0x100  }
0x16: {  	[sflag:s3] =	ssyncset.done $0x0  }
0x17: {  	[sflag:s3] =	ssyncadd.s32 $0xFFFFFF00  }
0x18: {  	[tilespmem:s6], [sflag:$0x1] =	stream.indirect.gather [hbm4b:s5+s6], $0x80, s2, s6, $0xb8;
	[tilespmem:$0x8100] =	vst v63  }
0x19: {  	_ =	swait.ge [sflag:s7], $0x8000  }
.Ltmp1:
0x1a: {  	[sflag:s7] =	ssyncset.done $0x0;
	(pc) =	sbr.rel @p0 .LBB2_1-.Ltmp1, $4  }
0x1b: {  	[sflag:s7] =	ssyncadd.s32 $0xFFFF8000  }
0x1c: {  	[hbm4b:s8+s2] =	stream.linear.scatter [tilespmem:s6], [sflag:$0x2], $0x8000, $0x38;
	[tilespmem:$0x8100] =	vst v63  }
0x1d: {  	_ =	swait.ge [sflag:s3], $0x8000  }
0x1e: {  	[sflag:s3] =	ssyncset.done $0x0  }
.LBB2_2:
0x1f: {  	[sflag:s3] =	ssyncadd.s32 $0xFFFF8000  }
0x20: {  	_ =	sfence.sel $0x180000  }
0x21: {  	[bflag:$0x0] =	sbarrier.arrive $0xFFFF  }
0x22: {  	p0 =	sne.s32 s0, $0x0;
	_ =	strace $0x90000047  }
0x23: {  	s0 =	sadd.s32 @!p0 $0x100000, s1;
	[bflag:$0x2] =	sbarrier.arrive $0xFFFF  }
0x24: {  	[sflag:s0] =	ssyncadd.tile.s32 @!p0 $0x1;
	_ =	shalt  }
.Lfunc_end2:
_tile_overlayer_lowered:
.L_overlay_start_2:
0x25: {  	(tag) =	ssettag $0x2  }
0x26: {  	s0 =	rddreg [dreg:$0x0];
	s2 =	stileid.u32  }
0x27: {  	s1 =	rddreg [dreg:$0x1];
	p0 =	sne.s32 s2, $0x0  }
0x28: {  	s3 =	rddreg [dreg:$0x2];
	[bflag:$0x3] =	sbarrier.arrive $0xFFFF;
	s2 =	simm.s32 @!p0 $0x1C02  }
0x29: {  	[timem:s3], [sflag:s2] =	dma.local @!p0 [hbm:s0], s1  }
0x2a: {  	s0 =	simm.s32 @!p0 $0x2  }
0x2b: {  	_ =	swait.ge @!p0 [sflag:s0], s1  }
0x2c: {  	s1 =	ssub.s32 @!p0 $0x0, s1;
	[sflag:s0] =	ssyncset.done @!p0 $0x0  }
0x2d: {  	[sflag:s0] =	ssyncadd.s32 @!p0 s1  }
0x2e: {  	[bflag:$0x3] =	sbarrier.arrive $0xFFFF  }
0x2f: {  	_ =	shalt  }

</sc_bundles>
